<compile_context>
chip_gen: v7x
topology: tpu7x:2x2x1
jax: 0.10.2.dev20260603
libtpu: 0.0.44.dev20260713+nightly
codegen_flags: <defaults>
</compile_context>

<pallas_src>
import functools

import jax
import jax.numpy as jnp
from jax import lax
from jax.experimental import pallas as pl
from jax.experimental.pallas import tpu as pltpu
from jax.experimental.pallas import tpu_sc as plsc

EPS = 1e-12

M_BLK = 512
N_BLK = 1024


def _argmin_body(hn_ref, ent_ref, h2_ref, e2_ref, idx_ref, best_d, best_i):
    j = pl.program_id(1)
    s = lax.dot_general(hn_ref[...], ent_ref[...], (((1,), (0,)), ((), ())),
                        preferred_element_type=jnp.float32)
    d = h2_ref[...] + e2_ref[...] - 2.0 * s
    bmin = jnp.min(d, axis=1, keepdims=True)
    barg = jnp.argmin(d, axis=1).astype(jnp.int32)[:, None] + j * N_BLK

    @pl.when(j == 0)
    def _init():
        best_d[...] = bmin
        best_i[...] = barg

    @pl.when(j > 0)
    def _update():
        upd = bmin < best_d[...]
        best_d[...] = jnp.where(upd, bmin, best_d[...])
        best_i[...] = jnp.where(upd, barg, best_i[...])

    @pl.when(j == pl.num_programs(1) - 1)
    def _emit():
        idx_ref[...] = best_i[...]


def _loss_body(zq_ref, hn_ref, zqn_ref, loss_ref):
    zq = zq_ref[...]
    zqn = zq * lax.rsqrt(jnp.sum(zq * zq, axis=1, keepdims=True) + EPS)
    zqn_ref[...] = zqn
    diff = zqn - hn_ref[...]
    loss_ref[...] = (jnp.sum(diff * diff, keepdims=True)
                     / (zq.shape[0] * zq.shape[1]))


def _sc_gather(table, idx):
    n_tok = idx.shape[0]
    dim = table.shape[1]
    info = plsc.get_sparse_core_info()
    nw = info.num_cores * info.num_subcores
    b_per_w = n_tok // nw
    chunk = 128
    n_chunks = b_per_w // chunk
    idx_2d = idx.reshape(n_tok // chunk, chunk)
    mesh = plsc.VectorSubcoreMesh(core_axis_name="c", subcore_axis_name="s")

    @functools.partial(
        pl.kernel,
        mesh=mesh,
        compiler_params=pltpu.CompilerParams(use_tc_tiling_on_sc=False),
        out_type=jax.ShapeDtypeStruct((n_tok, dim), jnp.float32),
        scratch_types=[
            pltpu.VMEM((n_chunks, chunk), jnp.int32),
            pltpu.VMEM((b_per_w, dim), jnp.float32),
            pltpu.SemaphoreType.DMA,
        ],
    )
    def gather_k(table_hbm, idx_hbm, out_hbm, idx_v, rows_v, sem):
        wid = lax.axis_index("s") * info.num_cores + lax.axis_index("c")
        base = wid * b_per_w
        pltpu.sync_copy(idx_hbm.at[pl.ds(wid * n_chunks, n_chunks)], idx_v)
        copies = []
        for c in range(n_chunks):
            copies.append(pltpu.async_copy(
                table_hbm.at[idx_v.at[c]],
                rows_v.at[pl.ds(c * chunk, chunk)],
                sem,
            ))
        for cp in copies:
            cp.wait()
        pltpu.sync_copy(rows_v, out_hbm.at[pl.ds(base, b_per_w)])

    return gather_k(table, idx_2d)


def kernel(hidden_states, embedding):
    b, t, dim = hidden_states.shape
    n_tok = b * t
    n_codes = embedding.shape[0]
    h = hidden_states.reshape(n_tok, dim)
    hn = h * lax.rsqrt(jnp.sum(h * h, axis=1, keepdims=True) + EPS)
    en = embedding * lax.rsqrt(
        jnp.sum(embedding * embedding, axis=1, keepdims=True) + EPS)
    h2 = jnp.sum(hn * hn, axis=1, keepdims=True)
    e2 = jnp.sum(en * en, axis=1)[None, :]
    ent = en.T

    grid = (n_tok // M_BLK, n_codes // N_BLK)
    idx2 = pl.pallas_call(
        _argmin_body,
        grid=grid,
        in_specs=[
            pl.BlockSpec((M_BLK, dim), lambda i, j: (i, 0)),
            pl.BlockSpec((dim, N_BLK), lambda i, j: (0, j)),
            pl.BlockSpec((M_BLK, 1), lambda i, j: (i, 0)),
            pl.BlockSpec((1, N_BLK), lambda i, j: (0, j)),
        ],
        out_specs=pl.BlockSpec((M_BLK, 1), lambda i, j: (i, 0)),
        out_shape=jax.ShapeDtypeStruct((n_tok, 1), jnp.int32),
        scratch_shapes=[
            pltpu.VMEM((M_BLK, 1), jnp.float32),
            pltpu.VMEM((M_BLK, 1), jnp.int32),
        ],
    )(hn, ent, h2, e2)
    idx = idx2.reshape(n_tok)

    zq_raw = _sc_gather(embedding, idx)

    zqn, loss = pl.pallas_call(
        _loss_body,
        out_shape=[
            jax.ShapeDtypeStruct((n_tok, dim), jnp.float32),
            jax.ShapeDtypeStruct((1, 1), jnp.float32),
        ],
    )(zq_raw, hn)

    loss_s = loss[0, 0]
    return (zqn.reshape(b, t, dim), idx2.reshape(b, t),
            (loss_s, loss_s))

# --- scband reference (transcript-rebuilt; emitter-appended) ---
"""Pipeline reference for scband-vector-quantizer-7988639171036 (READ-ONLY COPY).

The authoritative reference and input builder live on the scoring server;
editing this copy changes nothing except your own understanding.
"""

import jax, jax.numpy as jnp
import numpy as np


def l2_normalize(x, axis=None, eps=1e-12):
    return x * jax.lax.rsqrt((x * x).sum(axis=axis, keepdims=True) + eps)


def setup_inputs(seed: int = 0) -> dict:
    key = jax.random.key(seed)
    k1, k2 = jax.random.split(key)
    hidden_states = jax.random.normal(k1, (8, 1024, 32), dtype=jnp.float32)
    # embedding param: variance_scaling(1.0, 'fan_in', 'normal') with fan_in = codebook_embed_dim
    embedding = jax.random.normal(k2, (8192, 32), dtype=jnp.float32) * (1.0 / np.sqrt(32.0))
    return {"hidden_states": hidden_states, "embedding": embedding}


def reference(hidden_states, embedding):
    code_dim = embedding.shape[1]
    hidden_states_flattened = hidden_states.reshape((-1, code_dim))
    hidden_states_flattened = l2_normalize(hidden_states_flattened, axis=1)
    embedding_n = l2_normalize(embedding, axis=1)
    distance = (
        jnp.sum(hidden_states_flattened ** 2, axis=1, keepdims=True)
        + jnp.sum(embedding_n ** 2, axis=1)
        - 2 * jnp.dot(hidden_states_flattened, embedding_n.T)
    )
    min_encoding_indices = jnp.argmin(distance, axis=1)
    min_encoding_indices = min_encoding_indices.reshape(hidden_states.shape[0], -1)
    # get_codebook_entry
    z_q = jnp.take(embedding, min_encoding_indices, axis=0)
    z_q = l2_normalize(z_q, axis=-1)
    hidden_states_normed = l2_normalize(hidden_states, axis=-1)
    e_latent_loss = jnp.mean(jnp.square(jax.lax.stop_gradient(z_q) - hidden_states_normed))
    q_latent_loss = jnp.mean(jnp.square(z_q - jax.lax.stop_gradient(hidden_states_normed)))
    z_q = hidden_states + jax.lax.stop_gradient(z_q - hidden_states)
    return (z_q, min_encoding_indices, (q_latent_loss, e_latent_loss))

if __name__ == "__main__":
    import jax
    _d = setup_inputs()
    print(jax.jit(kernel)(*tuple(_d.values())))

</pallas_src>

<mosaic_0001>
#map = affine_map<(d0, d1) -> (0, 0)>
module attributes {stable_mosaic.version = 14 : i64} {
  func.func @gather_k(%arg0: i32, %arg1: i32, %arg2: memref<8192x32xf32, #tpu.memory_space<hbm>>, %arg3: memref<64x128xi32, #tpu.memory_space<hbm>>, %arg4: memref<8192x32xf32, #tpu.memory_space<hbm>>, %arg5: memref<2x128xi32, #tpu.memory_space<vmem>>, %arg6: memref<256x32xf32, #tpu.memory_space<vmem>>, %arg7: memref<!tpu.dma_semaphore, #tpu.memory_space<semaphore_mem>>) attributes {dimension_semantics = [#tpu.dimension_semantics<core_parallel>, #tpu.dimension_semantics<subcore_parallel>], iteration_bounds = array<i64: 2, 16>, scalar_prefetch = 0 : i64, scratch_operands = 3 : i64, tpu.core_type = #tpu.core_type<sc_vector_subcore>, window_params = [{transform_indices = #map}, {transform_indices = #map}, {transform_indices = #map}]} {
    %mul3A = arith.constant 2 : i32
    %mul3A_0 = arith.muli %arg1, %mul3A : i32
    %add3A = arith.addi %mul3A_0, %arg0 : i32
    %mul3A_1 = arith.constant 256 : i32
    %mul3A_2 = arith.muli %add3A, %mul3A_1 : i32
    %mul3A_3 = arith.constant 2 : i32
    %mul3A_4 = arith.muli %add3A, %mul3A_3 : i32
    "tpu.region"() ({
      %run_scoped3A = tpu.sem_alloc : memref<!tpu.dma_semaphore, #tpu.memory_space<semaphore_mem>>
      %dma_start3A_43 = arith.constant 0 : i32
      %dma_start3A_44 = tpu.memref_slice %arg3[%mul3A_4, %dma_start3A_43] : memref<64x128xi32, #tpu.memory_space<hbm>> -> memref<2x128xi32, #tpu.memory_space<hbm>>
      %dma_start3A_45 = arith.constant 0 : i32
      %dma_start3A_46 = tpu.memref_slice %arg3[%mul3A_4, %dma_start3A_45] : memref<64x128xi32, #tpu.memory_space<hbm>> -> memref<2x128xi32, #tpu.memory_space<hbm>>
      tpu.enqueue_dma source(%dma_start3A_46 : memref<2x128xi32, #tpu.memory_space<hbm>>) target(%arg5 : memref<2x128xi32, #tpu.memory_space<vmem>>) target_semaphore(%run_scoped3A : memref<!tpu.dma_semaphore, #tpu.memory_space<semaphore_mem>>)
      %dma_wait3A_47 = arith.constant 0 : i32
      %dma_wait3A_48 = tpu.memref_slice %arg3[%mul3A_4, %dma_wait3A_47] : memref<64x128xi32, #tpu.memory_space<hbm>> -> memref<2x128xi32, #tpu.memory_space<hbm>>
      %dma_wait3A_49 = arith.constant 0 : i32
      %dma_wait3A_50 = tpu.memref_slice %arg3[%mul3A_4, %dma_wait3A_49] : memref<64x128xi32, #tpu.memory_space<hbm>> -> memref<2x128xi32, #tpu.memory_space<hbm>>
      tpu.wait_dma2 semaphore(%run_scoped3A : memref<!tpu.dma_semaphore, #tpu.memory_space<semaphore_mem>>) src(%dma_wait3A_50 : memref<2x128xi32, #tpu.memory_space<hbm>>) dst(%arg5 : memref<2x128xi32, #tpu.memory_space<vmem>>)
      tpu.yield
    }) : () -> ()
    %dma_start3A = arith.constant 0 : i32
    %dma_start3A_5 = arith.constant 0 : i32
    %dma_start3A_6 = arith.constant 0 : i32
    %dma_start3A_7 = tpu.memref_slice %arg6[%dma_start3A_5, %dma_start3A_6] : memref<256x32xf32, #tpu.memory_space<vmem>> -> memref<128x32xf32, #tpu.memory_space<vmem>>
    %dma_start3A_8 = arith.constant 0 : i32
    %dma_start3A_9 = tpu.memref_slice %arg5[%dma_start3A, %dma_start3A_8] : memref<2x128xi32, #tpu.memory_space<vmem>> -> memref<1x128xi32, #tpu.memory_space<vmem>>
    %dma_start3A_10 = tpu.memref_squeeze %dma_start3A_9 : memref<1x128xi32, #tpu.memory_space<vmem>> -> memref<128xi32, #tpu.memory_space<vmem>>
    %dma_start3A_11 = arith.constant 0 : i32
    %dma_start3A_12 = arith.constant 0 : i32
    %dma_start3A_13 = tpu.memref_slice %arg2[%dma_start3A_11, %dma_start3A_12] : memref<8192x32xf32, #tpu.memory_space<hbm>> -> memref<8192x32xf32, #tpu.memory_space<hbm>>
    tpu.enqueue_indirect_dma source(%dma_start3A_13 : memref<8192x32xf32, #tpu.memory_space<hbm>>) target(%dma_start3A_7 : memref<128x32xf32, #tpu.memory_space<vmem>>) offsets(%dma_start3A_10 : memref<128xi32, #tpu.memory_space<vmem>>) semaphore(%arg7 : memref<!tpu.dma_semaphore, #tpu.memory_space<semaphore_mem>>)
    %dma_start3A_14 = arith.constant 1 : i32
    %dma_start3A_15 = arith.constant 128 : i32
    %dma_start3A_16 = arith.constant 0 : i32
    %dma_start3A_17 = tpu.memref_slice %arg6[%dma_start3A_15, %dma_start3A_16] : memref<256x32xf32, #tpu.memory_space<vmem>> -> memref<128x32xf32, #tpu.memory_space<vmem>>
    %dma_start3A_18 = arith.constant 0 : i32
    %dma_start3A_19 = tpu.memref_slice %arg5[%dma_start3A_14, %dma_start3A_18] : memref<2x128xi32, #tpu.memory_space<vmem>> -> memref<1x128xi32, #tpu.memory_space<vmem>>
    %dma_start3A_20 = tpu.memref_squeeze %dma_start3A_19 : memref<1x128xi32, #tpu.memory_space<vmem>> -> memref<128xi32, #tpu.memory_space<vmem>>
    %dma_start3A_21 = arith.constant 0 : i32
    %dma_start3A_22 = arith.constant 0 : i32
    %dma_start3A_23 = tpu.memref_slice %arg2[%dma_start3A_21, %dma_start3A_22] : memref<8192x32xf32, #tpu.memory_space<hbm>> -> memref<8192x32xf32, #tpu.memory_space<hbm>>
    tpu.enqueue_indirect_dma source(%dma_start3A_23 : memref<8192x32xf32, #tpu.memory_space<hbm>>) target(%dma_start3A_17 : memref<128x32xf32, #tpu.memory_space<vmem>>) offsets(%dma_start3A_20 : memref<128xi32, #tpu.memory_space<vmem>>) semaphore(%arg7 : memref<!tpu.dma_semaphore, #tpu.memory_space<semaphore_mem>>)
    %dma_wait3A = arith.constant 0 : i32
    %dma_wait3A_24 = arith.constant 0 : i32
    %dma_wait3A_25 = arith.constant 0 : i32
    %dma_wait3A_26 = tpu.memref_slice %arg6[%dma_wait3A_24, %dma_wait3A_25] : memref<256x32xf32, #tpu.memory_space<vmem>> -> memref<128x32xf32, #tpu.memory_space<vmem>>
    %dma_wait3A_27 = arith.constant 0 : i32
    %dma_wait3A_28 = tpu.memref_slice %arg5[%dma_wait3A, %dma_wait3A_27] : memref<2x128xi32, #tpu.memory_space<vmem>> -> memref<1x128xi32, #tpu.memory_space<vmem>>
    %dma_wait3A_29 = tpu.memref_squeeze %dma_wait3A_28 : memref<1x128xi32, #tpu.memory_space<vmem>> -> memref<128xi32, #tpu.memory_space<vmem>>
    %dma_wait3A_30 = arith.constant 0 : i32
    %dma_wait3A_31 = arith.constant 0 : i32
    %dma_wait3A_32 = tpu.memref_slice %arg2[%dma_wait3A_30, %dma_wait3A_31] : memref<8192x32xf32, #tpu.memory_space<hbm>> -> memref<8192x32xf32, #tpu.memory_space<hbm>>
    tpu.wait_indirect_dma semaphore(%arg7 : memref<!tpu.dma_semaphore, #tpu.memory_space<semaphore_mem>>) src(%dma_wait3A_32 : memref<8192x32xf32, #tpu.memory_space<hbm>>) dst(%dma_wait3A_26 : memref<128x32xf32, #tpu.memory_space<vmem>>)
    %dma_wait3A_33 = arith.constant 1 : i32
    %dma_wait3A_34 = arith.constant 128 : i32
    %dma_wait3A_35 = arith.constant 0 : i32
    %dma_wait3A_36 = tpu.memref_slice %arg6[%dma_wait3A_34, %dma_wait3A_35] : memref<256x32xf32, #tpu.memory_space<vmem>> -> memref<128x32xf32, #tpu.memory_space<vmem>>
    %dma_wait3A_37 = arith.constant 0 : i32
    %dma_wait3A_38 = tpu.memref_slice %arg5[%dma_wait3A_33, %dma_wait3A_37] : memref<2x128xi32, #tpu.memory_space<vmem>> -> memref<1x128xi32, #tpu.memory_space<vmem>>
    %dma_wait3A_39 = tpu.memref_squeeze %dma_wait3A_38 : memref<1x128xi32, #tpu.memory_space<vmem>> -> memref<128xi32, #tpu.memory_space<vmem>>
    %dma_wait3A_40 = arith.constant 0 : i32
    %dma_wait3A_41 = arith.constant 0 : i32
    %dma_wait3A_42 = tpu.memref_slice %arg2[%dma_wait3A_40, %dma_wait3A_41] : memref<8192x32xf32, #tpu.memory_space<hbm>> -> memref<8192x32xf32, #tpu.memory_space<hbm>>
    tpu.wait_indirect_dma semaphore(%arg7 : memref<!tpu.dma_semaphore, #tpu.memory_space<semaphore_mem>>) src(%dma_wait3A_42 : memref<8192x32xf32, #tpu.memory_space<hbm>>) dst(%dma_wait3A_36 : memref<128x32xf32, #tpu.memory_space<vmem>>)
    "tpu.region"() ({
      %run_scoped3A = tpu.sem_alloc : memref<!tpu.dma_semaphore, #tpu.memory_space<semaphore_mem>>
      %dma_start3A_43 = arith.constant 0 : i32
      %dma_start3A_44 = tpu.memref_slice %arg4[%mul3A_2, %dma_start3A_43] : memref<8192x32xf32, #tpu.memory_space<hbm>> -> memref<256x32xf32, #tpu.memory_space<hbm>>
      %dma_start3A_45 = arith.constant 0 : i32
      %dma_start3A_46 = tpu.memref_slice %arg4[%mul3A_2, %dma_start3A_45] : memref<8192x32xf32, #tpu.memory_space<hbm>> -> memref<256x32xf32, #tpu.memory_space<hbm>>
      tpu.enqueue_dma source(%arg6 : memref<256x32xf32, #tpu.memory_space<vmem>>) target(%dma_start3A_46 : memref<256x32xf32, #tpu.memory_space<hbm>>) target_semaphore(%run_scoped3A : memref<!tpu.dma_semaphore, #tpu.memory_space<semaphore_mem>>)
      %dma_wait3A_47 = arith.constant 0 : i32
      %dma_wait3A_48 = tpu.memref_slice %arg4[%mul3A_2, %dma_wait3A_47] : memref<8192x32xf32, #tpu.memory_space<hbm>> -> memref<256x32xf32, #tpu.memory_space<hbm>>
      %dma_wait3A_49 = arith.constant 0 : i32
      %dma_wait3A_50 = tpu.memref_slice %arg4[%mul3A_2, %dma_wait3A_49] : memref<8192x32xf32, #tpu.memory_space<hbm>> -> memref<256x32xf32, #tpu.memory_space<hbm>>
      tpu.wait_dma2 semaphore(%run_scoped3A : memref<!tpu.dma_semaphore, #tpu.memory_space<semaphore_mem>>) src(%arg6 : memref<256x32xf32, #tpu.memory_space<vmem>>) dst(%dma_wait3A_50 : memref<256x32xf32, #tpu.memory_space<hbm>>)
      tpu.yield
    }) : () -> ()
    return
  }
}

module attributes {stable_mosaic.version = 14 : i64} {
  func.func @_argmin_body(%arg0: i32, %arg1: i32, %arg2: memref<512x32xf32, #tpu.memory_space<vmem>>, %arg3: memref<32x1024xf32, #tpu.memory_space<vmem>>, %arg4: memref<512x1xf32, #tpu.memory_space<vmem>>, %arg5: memref<1x1024xf32, #tpu.memory_space<vmem>>, %arg6: memref<512x1xi32, #tpu.memory_space<vmem>>, %arg7: memref<512x1xf32, #tpu.memory_space<vmem>>, %arg8: memref<512x1xi32, #tpu.memory_space<vmem>>) attributes {dimension_semantics = [#tpu.dimension_semantics<arbitrary>, #tpu.dimension_semantics<arbitrary>], iteration_bounds = array<i64: 16, 8>, scalar_prefetch = 0 : i64, scratch_operands = 2 : i64, tpu.core_type = #tpu.core_type<tc>, window_params = [{transform_indices = @transform_0, window_bounds = array<i64: 512, 32>}, {transform_indices = @transform_1, window_bounds = array<i64: 32, 1024>}, {transform_indices = @transform_2, window_bounds = array<i64: 512, 1>}, {transform_indices = @transform_3, window_bounds = array<i64: 1, 1024>}, {transform_indices = @transform_4, window_bounds = array<i64: 512, 1>}]} {
    %get3A = arith.constant 0 : index
    %get3A_0 = arith.constant 0 : index
    %get3A_1 = vector.load %arg2[%get3A, %get3A_0] : memref<512x32xf32, #tpu.memory_space<vmem>>, vector<512x32xf32>
    %get3A_2 = arith.constant 0 : index
    %get3A_3 = arith.constant 0 : index
    %get3A_4 = vector.load %arg3[%get3A_2, %get3A_3] : memref<32x1024xf32, #tpu.memory_space<vmem>>, vector<32x1024xf32>
    %dot_general3A = arith.constant dense<0.000000e+00> : vector<512x1024xf32>
    %dot_general3A_5 = tpu.matmul %get3A_1, %get3A_4, %dot_general3A {dimension_numbers = #tpu.dot_dimension_numbers<[1], [0], [0], [1], [0, 0, 1, 1], [], []>, transpose_lhs_hint = false} : vector<512x32xf32>, vector<32x1024xf32>, vector<512x1024xf32> -> vector<512x1024xf32>
    %get3A_6 = arith.constant 0 : index
    %get3A_7 = arith.constant 0 : index
    %get3A_8 = vector.load %arg4[%get3A_6, %get3A_7] : memref<512x1xf32, #tpu.memory_space<vmem>>, vector<512x1xf32>
    %get3A_9 = arith.constant 0 : index
    %get3A_10 = arith.constant 0 : index
    %get3A_11 = vector.load %arg5[%get3A_9, %get3A_10] : memref<1x1024xf32, #tpu.memory_space<vmem>>, vector<1x1024xf32>
    %add3A = vector.broadcast %get3A_8 : vector<512x1xf32> to vector<512x1024xf32>
    %add3A_12 = vector.broadcast %get3A_11 : vector<1x1024xf32> to vector<512x1024xf32>
    %add3A_13 = arith.addf %add3A, %add3A_12 : vector<512x1024xf32>
    %mul3A = arith.constant 2.000000e+00 : f32
    %mul3A_14 = vector.broadcast %mul3A : f32 to vector<512x1024xf32>
    %mul3A_15 = arith.mulf %mul3A_14, %dot_general3A_5 : vector<512x1024xf32>
    %sub3A = arith.subf %add3A_13, %mul3A_15 : vector<512x1024xf32>
    %reduce_min3A = arith.constant dense<0x7F800000> : vector<512xf32>
    %reduce_min3A_16 = vector.multi_reduction <minimumf>, %sub3A, %reduce_min3A [1] : vector<512x1024xf32> to vector<512xf32>
    %broadcast_in_dim3A = vector.shape_cast %reduce_min3A_16 : vector<512xf32> to vector<512x1xf32>
    %argmin3A = tpu.reduce_index %sub3A {axis = 1 : i32, kind = #tpu.reduction_kind<arg_min>} : vector<512x1024xf32> -> vector<512xi32>
    %broadcast_in_dim3A_17 = vector.shape_cast %argmin3A : vector<512xi32> to vector<512x1xi32>
    %mul3A_18 = arith.constant 1024 : i32
    %mul3A_19 = arith.muli %arg1, %mul3A_18 : i32
    %add3A_20 = vector.broadcast %mul3A_19 : i32 to vector<512x1xi32>
    %add3A_21 = arith.addi %broadcast_in_dim3A_17, %add3A_20 : vector<512x1xi32>
    %eq3A = arith.constant 0 : i32
    %eq3A_22 = arith.cmpi eq, %arg1, %eq3A : i32
    %convert_element_type3A = arith.extui %eq3A_22 : i1 to i32
    %cond3A = arith.constant 0 : i32
    %cond3A_23 = arith.cmpi ne, %convert_element_type3A, %cond3A : i32
    scf.if %cond3A_23 {
      %swap3A = arith.constant 0 : index
      %swap3A_33 = arith.constant 0 : index
      %swap3A_34 = vector.load %arg7[%swap3A, %swap3A_33] : memref<512x1xf32, #tpu.memory_space<vmem>>, vector<512x1xf32>
      tpu.vector_store %arg7[%swap3A, %swap3A_33], %broadcast_in_dim3A {strides = array<i32>} : memref<512x1xf32, #tpu.memory_space<vmem>>, vector<512x1xf32>,
      %swap3A_35 = arith.constant 0 : index
      %swap3A_36 = arith.constant 0 : index
      %swap3A_37 = vector.load %arg8[%swap3A_35, %swap3A_36] : memref<512x1xi32, #tpu.memory_space<vmem>>, vector<512x1xi32>
      tpu.vector_store %arg8[%swap3A_35, %swap3A_36], %add3A_21 {strides = array<i32>} : memref<512x1xi32, #tpu.memory_space<vmem>>, vector<512x1xi32>,
    } else {
    }
    %gt3A = arith.constant 0 : i32
    %gt3A_24 = arith.cmpi sgt, %arg1, %gt3A : i32
    %convert_element_type3A_25 = arith.extui %gt3A_24 : i1 to i32
    %cond3A_26 = arith.constant 0 : i32
    %cond3A_27 = arith.cmpi ne, %convert_element_type3A_25, %cond3A_26 : i32
    scf.if %cond3A_27 {
      %get3A_33 = arith.constant 0 : index
      %get3A_34 = arith.constant 0 : index
      %get3A_35 = vector.load %arg7[%get3A_33, %get3A_34] : memref<512x1xf32, #tpu.memory_space<vmem>>, vector<512x1xf32>
      %lt3A = arith.cmpf olt, %broadcast_in_dim3A, %get3A_35 : vector<512x1xf32>
      %get3A_36 = arith.constant 0 : index
      %get3A_37 = arith.constant 0 : index
      %get3A_38 = vector.load %arg7[%get3A_36, %get3A_37] : memref<512x1xf32, #tpu.memory_space<vmem>>, vector<512x1xf32>
      %select_n3A = arith.select %lt3A, %broadcast_in_dim3A, %get3A_38 : vector<512x1xi1>, vector<512x1xf32>
      %swap3A = arith.constant 0 : index
      %swap3A_39 = arith.constant 0 : index
      %swap3A_40 = vector.load %arg7[%swap3A, %swap3A_39] : memref<512x1xf32, #tpu.memory_space<vmem>>, vector<512x1xf32>
      tpu.vector_store %arg7[%swap3A, %swap3A_39], %select_n3A {strides = array<i32>} : memref<512x1xf32, #tpu.memory_space<vmem>>, vector<512x1xf32>,
      %get3A_41 = arith.constant 0 : index
      %get3A_42 = arith.constant 0 : index
      %get3A_43 = vector.load %arg8[%get3A_41, %get3A_42] : memref<512x1xi32, #tpu.memory_space<vmem>>, vector<512x1xi32>
      %select_n3A_44 = arith.select %lt3A, %add3A_21, %get3A_43 : vector<512x1xi1>, vector<512x1xi32>
      %swap3A_45 = arith.constant 0 : index
      %swap3A_46 = arith.constant 0 : index
      %swap3A_47 = vector.load %arg8[%swap3A_45, %swap3A_46] : memref<512x1xi32, #tpu.memory_space<vmem>>, vector<512x1xi32>
      tpu.vector_store %arg8[%swap3A_45, %swap3A_46], %select_n3A_44 {strides = array<i32>} : memref<512x1xi32, #tpu.memory_space<vmem>>, vector<512x1xi32>,
    } else {
    }
    %eq3A_28 = arith.constant 7 : i32
    %eq3A_29 = arith.cmpi eq, %arg1, %eq3A_28 : i32
    %convert_element_type3A_30 = arith.extui %eq3A_29 : i1 to i32
    %cond3A_31 = arith.constant 0 : i32
    %cond3A_32 = arith.cmpi ne, %convert_element_type3A_30, %cond3A_31 : i32
    scf.if %cond3A_32 {
      %get3A_33 = arith.constant 0 : index
      %get3A_34 = arith.constant 0 : index
      %get3A_35 = vector.load %arg8[%get3A_33, %get3A_34] : memref<512x1xi32, #tpu.memory_space<vmem>>, vector<512x1xi32>
      %swap3A = arith.constant 0 : index
      %swap3A_36 = arith.constant 0 : index
      %swap3A_37 = vector.load %arg6[%swap3A, %swap3A_36] : memref<512x1xi32, #tpu.memory_space<vmem>>, vector<512x1xi32>
      tpu.vector_store %arg6[%swap3A, %swap3A_36], %get3A_35 {strides = array<i32>} : memref<512x1xi32, #tpu.memory_space<vmem>>, vector<512x1xi32>,
    } else {
    }
    return
  }
  func.func @transform_0(%arg0: i32, %arg1: i32) -> (i32, i32) {
    %c0_i32 = arith.constant 0 : i32
    %c0_i32_0 = arith.constant 0 : i32
    return %arg0, %c0_i32 : i32, i32
  }
  func.func @transform_1(%arg0: i32, %arg1: i32) -> (i32, i32) {
    %c0_i32 = arith.constant 0 : i32
    %c0_i32_0 = arith.constant 0 : i32
    return %c0_i32, %arg1 : i32, i32
  }
  func.func @transform_2(%arg0: i32, %arg1: i32) -> (i32, i32) {
    %c0_i32 = arith.constant 0 : i32
    %c0_i32_0 = arith.constant 0 : i32
    return %arg0, %c0_i32 : i32, i32
  }
  func.func @transform_3(%arg0: i32, %arg1: i32) -> (i32, i32) {
    %c0_i32 = arith.constant 0 : i32
    %c0_i32_0 = arith.constant 0 : i32
    return %c0_i32, %arg1 : i32, i32
  }
  func.func @transform_4(%arg0: i32, %arg1: i32) -> (i32, i32) {
    %c0_i32 = arith.constant 0 : i32
    %c0_i32_0 = arith.constant 0 : i32
    return %arg0, %c0_i32 : i32, i32
  }
}

module attributes {stable_mosaic.version = 14 : i64} {
  func.func @_loss_body(%arg0: memref<8192x32xf32, #tpu.memory_space<vmem>>, %arg1: memref<8192x32xf32, #tpu.memory_space<vmem>>, %arg2: memref<8192x32xf32, #tpu.memory_space<vmem>>, %arg3: memref<1x1xf32, #tpu.memory_space<vmem>>) attributes {dimension_semantics = [], scalar_prefetch = 0 : i64, scratch_operands = 0 : i64, tpu.core_type = #tpu.core_type<tc>} {
    %get3A = arith.constant 0 : index
    %get3A_0 = arith.constant 0 : index
    %get3A_1 = vector.load %arg0[%get3A, %get3A_0] : memref<8192x32xf32, #tpu.memory_space<vmem>>, vector<8192x32xf32>
    %mul3A = arith.mulf %get3A_1, %get3A_1 : vector<8192x32xf32>
    %reduce_sum3A = arith.constant dense<0.000000e+00> : vector<8192xf32>
    %reduce_sum3A_2 = vector.multi_reduction <add>, %mul3A, %reduce_sum3A [1] : vector<8192x32xf32> to vector<8192xf32>
    %broadcast_in_dim3A = vector.shape_cast %reduce_sum3A_2 : vector<8192xf32> to vector<8192x1xf32>
    %add3A = arith.constant 9.99999996E-13 : f32
    %add3A_3 = vector.broadcast %add3A : f32 to vector<8192x1xf32>
    %add3A_4 = arith.addf %broadcast_in_dim3A, %add3A_3 : vector<8192x1xf32>
    %rsqrt3A = math.rsqrt %add3A_4 : vector<8192x1xf32>
    %mul3A_5 = vector.broadcast %rsqrt3A : vector<8192x1xf32> to vector<8192x32xf32>
    %mul3A_6 = arith.mulf %get3A_1, %mul3A_5 : vector<8192x32xf32>
    %swap3A = arith.constant 0 : index
    %swap3A_7 = arith.constant 0 : index
    %swap3A_8 = vector.load %arg2[%swap3A, %swap3A_7] : memref<8192x32xf32, #tpu.memory_space<vmem>>, vector<8192x32xf32>
    tpu.vector_store %arg2[%swap3A, %swap3A_7], %mul3A_6 {strides = array<i32>} : memref<8192x32xf32, #tpu.memory_space<vmem>>, vector<8192x32xf32>,
    %get3A_9 = arith.constant 0 : index
    %get3A_10 = arith.constant 0 : index
    %get3A_11 = vector.load %arg1[%get3A_9, %get3A_10] : memref<8192x32xf32, #tpu.memory_space<vmem>>, vector<8192x32xf32>
    %sub3A = arith.subf %mul3A_6, %get3A_11 : vector<8192x32xf32>
    %mul3A_12 = arith.mulf %sub3A, %sub3A : vector<8192x32xf32>
    %reduce_sum3A_13 = vector.shape_cast %mul3A_12 : vector<8192x32xf32> to vector<1x8192x32xf32>
    %reduce_sum3A_14 = arith.constant dense<0.000000e+00> : vector<1xf32>
    %reduce_sum3A_15 = vector.multi_reduction <add>, %reduce_sum3A_13, %reduce_sum3A_14 [1, 2] : vector<1x8192x32xf32> to vector<1xf32>
    %reduce_sum3A_16 = vector.shape_cast %reduce_sum3A_15 : vector<1xf32> to vector<1x1x1xf32>
    %reduce_sum3A_17 = vector.extract %reduce_sum3A_16[0, 0, 0] : f32 from vector<1x1x1xf32>
    %broadcast_in_dim3A_18 = vector.broadcast %reduce_sum3A_17 : f32 to vector<1x1xf32>
    %div3A = arith.constant 2.621440e+05 : f32
    %div3A_19 = vector.broadcast %div3A : f32 to vector<1x1xf32>
    %div3A_20 = arith.divf %broadcast_in_dim3A_18, %div3A_19 : vector<1x1xf32>
    %swap3A_21 = arith.constant 0 : index
    %swap3A_22 = arith.constant 0 : index
    %swap3A_23 = vector.load %arg3[%swap3A_21, %swap3A_22] : memref<1x1xf32, #tpu.memory_space<vmem>>, vector<1x1xf32>
    tpu.vector_store %arg3[%swap3A_21, %swap3A_22], %div3A_20 {strides = array<i32>} : memref<1x1xf32, #tpu.memory_space<vmem>>, vector<1x1xf32>,
    return
  }
}

</mosaic_0001>

<sc_bundles>
// kernel: kernel.5.cloned.1.call-start
scs
__scs_entry_jumppad:
0x0: {  	(pc) =	sbr.rel $0x88, $3  }
0x1: {  	(tag) =	ssettag $0x0;
	lr =	simm.s32 $0x1  }
0x2: {  	[smem:$0x3F9F] =	sst lr;
	_ =	strace $0xD0000000  }
0x3: {  	_ = 	snop  }
0x4: {  	_ = 	snop  }
0x5: {  	_ = 	snop  }
0x6: {  	_ = 	snop  }
0x7: {  	_ = 	snop  }
__scs_overlays_trampoline_lowered:
0x8: {  	[smem:$0x3FAE] =	sst s0  }
0x9: {  	[smem:$0x3FAF] =	sst s1  }
0xa: {  	[smem:$0x3FB0] =	sst s2  }
0xb: {  	[smem:$0x3FB1] =	sst s3  }
0xc: {  	[smem:$0x3FB2] =	sst s4  }
0xd: {  	[smem:$0x3FB3] =	sst s5  }
0xe: {  	[smem:$0x3FB4] =	sst s6  }
0xf: {  	[smem:$0x3FB5] =	sst s7  }
0x10: {  	[smem:$0x3FB6] =	sst s8  }
0x11: {  	[smem:$0x3FB7] =	sst s9;
	s0 =	simm.s32 @!p0 $0x0  }
0x12: {  	s1 =	sld [smem:$0x3F9D];
	s0 =	simm.s32 @p0 $0x1  }
0x13: {  	[smem:$0x3FB8] =	sst s0;
	s0 =	simm.s32 @!p1 $0x0  }
0x14: {  	s2 =	sld [smem:$0x3F9C];
	s0 =	simm.s32 @p1 $0x1  }
0x15: {  	[smem:$0x3FB9] =	sst s0;
	s0 =	simm.s32 @!p2 $0x0  }
0x16: {  	s3 =	sld [smem:$0x3FDB];
	s0 =	simm.s32 @p2 $0x1  }
0x17: {  	s4 =	simm.s32 $0x1BF5;
	[smem:$0x3FBB] =	sst s0  }
0x18: {  	s0 =	sld [smem:$0x3F9E];
	_ =	swait.ge [sflag:s4], $0x0  }
0x19: {  	s7 =	sld [smem:$0x3F9F]  }
0x1a: {  	s8 =	sadd.s32 $0xFFFFE003, lr  }
0x1b: {  	s9 =	sadd.s32 $0xFFFFFEF7, lr;
	s5 =	simm.s32 $0xFFFFFFFF;
	p2 =	slt.u32 s8, $0xFFFFF086  }
0x1c: {  	p1 =	slt.u32 s9, $0xF7A;
	s5 =	simm.s32 @!p2 $0x0  }
0x1d: {  	s5 =	simm.s32 @p1 $0x1;
	p0 =	seq.s32 s7, s2  }
0x1e: {  	s7 =	smul.u32 @!p0 $0xF7A, s2;
	p2 =	seq.s32 @!p0 s5, $0x0  }
0x1f: {  	s9 =	smul.u32 $0xF7A, s1;
	s8 =	simm.s32 @!p0 $0x1BF5;
	p2 =	por !p2, p0  }
0x20: {  	[sflag:s8] =	ssyncset.s32 @!p0 $0xFFFFF086;
	s6 =	sadd.s32 @!p0 s3, s7;
	s7 =	simm.s32 @!p0 $0x108  }
0x21: {  	s3 =	sadd.s32 s3, s9;
	s6 =	sadd.s32 @!p0 $0x88, s6;
	s7 =	simm.s32 @p2 $0x1082  }
0x22: {  	[simem:s7], [sflag:s8] =	dma.local @!p0 [hbm:s6], $0xF7A  }
0x23: {  	s9 =	sor.u32 $0xD0000000, s2;
	s6 =	simm.s32 $0x108;
	_ =	swait.ge @!p0 [sflag:s8], $0x0  }
0x24: {  	s3 =	sadd.s32 $0x88, s3;
	s6 =	simm.s32 @!p1 $0x1082;
	[sflag:s4] =	ssyncset.s32 $0xFFFFF086  }
0x25: {  	[simem:s6], [sflag:s4] =	dma.local [hbm:s3], $0xF7A  }
0x26: {  	[smem:$0x3F9F] =	sst s1;
	(tag) =	ssettag s2;
	_ =	strace s9  }
0x27: {  	s1 =	sld [smem:$0x3FAF]  }
0x28: {  	s2 =	sld [smem:$0x3FB0]  }
0x29: {  	s4 =	sld [smem:$0x3FB2]  }
0x2a: {  	p0 =	seq.s32 s5, $0x0;
	s5 =	sld [smem:$0x3FB3]  }
0x2b: {  	s6 =	sld [smem:$0x3FB4]  }
0x2c: {  	s7 =	sld [smem:$0x3FB5]  }
0x2d: {  	s3 =	simm.s32 $0x108;
	s8 =	sld [smem:$0x3FB6]  }
0x2e: {  	s3 =	simm.s32 @!p0 $0x1082;
	s9 =	sld [smem:$0x3FB7]  }
0x2f: {  	lr =	sadd.s32 s0, s3;
	s0 =	sld [smem:$0x3FAE]  }
0x30: {  	s3 =	sld [smem:$0x3FB1]  }
0x31: {  	[smem:$0x3FBA] =	sst s10  }
0x32: {  	s10 =	sld [smem:$0x3FB8];
	_ =	sdelay $0x3  }
0x33: {  	p0 =	seq.s32 s10, $0x1;
	s10 =	sld [smem:$0x3FBA];
	_ =	sdelay $0x3  }
0x34: {  	[smem:$0x3FBA] =	sst s10  }
0x35: {  	s10 =	sld [smem:$0x3FB9];
	_ =	sdelay $0x3  }
0x36: {  	p1 =	seq.s32 s10, $0x1;
	s10 =	sld [smem:$0x3FBA];
	_ =	sdelay $0x3  }
0x37: {  	[smem:$0x3FBA] =	sst s10  }
0x38: {  	s10 =	sld [smem:$0x3FBB]  }
0x39: {  	_ = 	snop;
	(pc) =	sbr.ind lr, $3  }
0x3a: {  	_ = 	snop  }
0x3b: {  	_ = 	snop  }
0x3c: {  	p2 =	seq.s32 s10, $0x1;
	s10 =	sld [smem:$0x3FBA]  }
0x3d: {  	_ =	shalt  }
0x3e: {  	_ =	shalt  }
0x3f: {  	_ =	shalt  }
0x40: {  	_ =	shalt  }
0x41: {  	_ =	shalt  }
0x42: {  	_ =	shalt  }
0x43: {  	_ =	shalt  }
0x44: {  	_ =	shalt  }
0x45: {  	_ =	shalt  }
0x46: {  	_ =	shalt  }
0x47: {  	_ =	shalt  }
0x48: {  	_ =	shalt  }
0x49: {  	_ =	shalt  }
0x4a: {  	_ =	shalt  }
0x4b: {  	_ =	shalt  }
0x4c: {  	_ =	shalt  }
0x4d: {  	_ =	shalt  }
0x4e: {  	_ =	shalt  }
0x4f: {  	_ =	shalt  }
0x50: {  	_ =	shalt  }
0x51: {  	_ =	shalt  }
0x52: {  	_ =	shalt  }
0x53: {  	_ =	shalt  }
0x54: {  	_ =	shalt  }
0x55: {  	_ =	shalt  }
0x56: {  	_ =	shalt  }
0x57: {  	_ =	shalt  }
0x58: {  	_ =	shalt  }
0x59: {  	_ =	shalt  }
0x5a: {  	_ =	shalt  }
0x5b: {  	_ =	shalt  }
0x5c: {  	_ =	shalt  }
0x5d: {  	_ =	shalt  }
0x5e: {  	_ =	shalt  }
0x5f: {  	_ =	shalt  }
0x60: {  	_ =	shalt  }
0x61: {  	_ =	shalt  }
0x62: {  	_ =	shalt  }
0x63: {  	_ =	shalt  }
0x64: {  	_ =	shalt  }
0x65: {  	_ =	shalt  }
0x66: {  	_ =	shalt  }
0x67: {  	_ =	shalt  }
0x68: {  	_ =	shalt  }
0x69: {  	_ =	shalt  }
0x6a: {  	_ =	shalt  }
0x6b: {  	_ =	shalt  }
0x6c: {  	_ =	shalt  }
0x6d: {  	_ =	shalt  }
0x6e: {  	_ =	shalt  }
0x6f: {  	_ =	shalt  }
0x70: {  	_ =	shalt  }
0x71: {  	_ =	shalt  }
0x72: {  	_ =	shalt  }
0x73: {  	_ =	shalt  }
0x74: {  	_ =	shalt  }
0x75: {  	_ =	shalt  }
0x76: {  	_ =	shalt  }
0x77: {  	_ =	shalt  }
0x78: {  	_ =	shalt  }
0x79: {  	_ =	shalt  }
0x7a: {  	_ =	shalt  }
0x7b: {  	_ =	shalt  }
0x7c: {  	_ =	shalt  }
0x7d: {  	_ =	shalt  }
0x7e: {  	_ =	shalt  }
0x7f: {  	_ =	shalt  }
0x80: {  	_ =	shalt  }
0x81: {  	_ =	shalt  }
0x82: {  	_ =	shalt  }
0x83: {  	_ =	shalt  }
0x84: {  	_ =	shalt  }
0x85: {  	_ =	shalt  }
0x86: {  	_ =	shalt  }
0x87: {  	_ =	shalt  }
.Lfunc_end0:
.L_simem_size_0:
called_computation_lowered:
.L_overlay_start_0:
0x88: {  	s2 =	sld [smem:$0x3FD9]  }
0x89: {  	s3 =	sld [smem:$0x3FFE];
	_ =	sdelay $0x1  }
0x8a: {  	s1 =	srdreg.scid  }
0x8b: {  	s0 =	sand.u32 $0x1, s1  }
0x8c: {  	s14 =	sshll.u32 s0, $0xA;
	s2 =	sadd.s32 s3, s2  }
0x8d: {  	s2 =	sadd.s32 s2, s14  }
0x8e: {  	[smem:$0x3FC6] =	sst s2  }
0x8f: {  	_ = 	snop  }
0x90: {  	s2 =	sld [smem:$0x3FD0];
	_ =	sdelay $0x2  }
0x91: {  	s15 =	simm.s32 $0xA;
	s4 =	simm.s32 $0x10  }
0x92: {  	[smem:s4], [sflag:s15] =	dma.local [hbm:s2], $0x1  }
0x93: {  	_ =	swait.eq [sflag:s15], $0x1  }
0x94: {  	[sflag:s15] =	ssyncset.done $0x0  }
0x95: {  	[sflag:s15] =	ssyncadd.s32 $0xFFFFFFFF  }
0x96: {  	s16 =	sld [smem:$0x10];
	(tm) =	ssettm $0x1  }
0x97: {  	s17 =	sld [smem:$0x3FFB];
	_ =	sdelay $0x3  }
0x98: {  	_ =	strace s17  }
0x99: {  	s3 =	sld [smem:$0x3FFC];
	_ =	sdelay $0x3  }
0x9a: {  	_ =	strace s3  }
0x9b: {  	s3 =	sld [smem:$0x3FFD];
	_ =	sdelay $0x3  }
0x9c: {  	_ =	strace s3  }
0x9d: {  	_ =	strace $0x8FFFFFFF  }
0x9e: {  	s18 =	sld [smem:$0x3FDB];
	_ =	sdelay $0x1  }
0x9f: {  	s19 =	simm.s32 $_scs_section_size  }
0xa0: {  	s5 =	simm.s32 $_size__tile_overlayer_lowered;
	s6 =	simm.s32 $_tile_overlayer_lowered  }
0xa1: {  	s22 =	simm.s32 $0x1BFF;
	s21 =	sshll.u32 s6, $0x1;
	s3 =	sadd.s32 s19, s18  }
0xa2: {  	s7 =	simm.s32 $0x0;
	s20 =	sshll.u32 s5, $0x1;
	s5 =	sadd.s32 s21, s3  }
0xa3: {  	[timem:s7], [sflag:s22] =	dma.local [hbm:s5], s20  }
0xa4: {  	_ =	swait.ge [sflag:s22], s20  }
0xa5: {  	s4 =	ssub.s32 $0x0, s20;
	[sflag:s22] =	ssyncset.done $0x0  }
0xa6: {  	[sflag:s22] =	ssyncadd.s32 s4;
	_ =	sdelay $0x1  }
0xa7: {  	s23 =	simm.s32 $0x1B8B  }
0xa8: {  	_ =	swait.ge [sflag:s23], $0x1  }
0xa9: {  	[sflag:s23] =	ssyncset.done $0x0  }
0xaa: {  	s25 =	simm.s32 $0x1B8E;
	s24 =	sld [smem:$0x3FFE];
	[sflag:s23] =	ssyncadd.s32 $0xFFFFFFFF  }
0xab: {  	s26 =	simm.s32 $execute0_lowered;
	[smem:$0x3FD2] =	sst s25  }
0xac: {  	s5 =	sshll.u32 s26, $0x1;
	_ =	strace $0x80000046;
	[dreg:$0x1] =	wrdreg $0xFFFFFFFF  }
0xad: {  	s28 =	simm.s32 $_size_execute0_lowered;
	s3 =	sadd.s32 s3, s5;
	[dreg:$0x0] =	wrdreg $0x0  }
0xae: {  	s5 =	sshll.u32 s28, $0x1;
	[dreg:$0x2] =	wrdreg s3  }
0xaf: {  	[dreg:$0x3] =	wrdreg s5  }
0xb0: {  	[dreg:$0x4] =	wrdreg $0xC0  }
0xb1: {  	_ =	task [dreg:s7], $0x5FFFF  }
0xb2: {  	[dreg:$0x1] =	wrdreg $0xFFFFFFFF  }
0xb3: {  	[dreg:$0x0] =	wrdreg $0x60  }
0xb4: {  	[dreg:$0x2] =	wrdreg s16  }
0xb5: {  	[dreg:$0x3] =	wrdreg s24  }
0xb6: {  	[dreg:$0x4] =	wrdreg $0x9  }
0xb7: {  	_ =	task.clear_ibuf [dreg:s7], $0x5FFFF;
	_ =	strace $0x90000046  }
0xb8: {  	s29 =	simm.s32 $0x9;
	_ =	strace $0x80000048  }
0xb9: {  	_ =	swait.ge [sflag:s29], $0x1  }
0xba: {  	[sflag:s29] =	ssyncadd.s32 $0xFFFFFFFF  }
0xbb: {  	_ =	strace $0x90000048  }
0xbc: {  	_ =	sfence  }
0xbd: {  	s30 =	sld [smem:$0x0];
	_ =	sdelay $0x2  }
0xbe: {  	s31 =	sshll.u32 s1, $0xD;
	s1 =	sshrl.u32 s1, $0x2  }
0xbf: {  	s3 =	sand.u32 $0x4000, s31;
	s1 =	sadd.s32 s1, s30  }
0xc0: {  	s0 =	sor.u32 s3, s0;
	s1 =	sshll.u32 s1, $0x11  }
0xc1: {  	s0 =	sor.u32 s1, s0  }
0xc2: {  	s0 =	sadd.s32 $0x8F2B, s0  }
0xc3: {  	[sflag:s0] =	ssyncadd.remote.s32 $0x1  }
0xc4: {  	_ =	sfence.sel $0xFFFF  }
0xc5: {  	[dreg:$0x0] =	wrdreg $0xFFFFFFFF;
	(pc) =	sbr.abs _section_cstart, $3  }
0xc6: {  	[dreg:$0x1] =	wrdreg $0xFFFFFFFF  }
0xc7: {  	_ =	task.clear_ibuf [dreg:s7], $0x2FFFF;
	_ =	strace $0x9FFFFFFF  }
0xc8: {  	(tm) =	ssettm $0x7FFFFFFF  }
0xc9: {  	_ =	shalt  }
tec
execute0_lowered:
.L_overlay_start_1:
0x0: {  	(tag) =	ssettag $0x1  }
0x1: {  	s2 =	rddreg [dreg:$0x0]  }
0x2: {  	s1 =	srdreg.scid;
	s0 =	stileid.u32  }
0x3: {  	s10 =	rddreg [dreg:$0x1];
	s11 =	sand.u32 $0x1, s1;
	s4 =	sshll.u32 s0, $0x1  }
0x4: {  	s3 =	simm.s32 $0x0;
	s1 =	rddreg [dreg:$0x2];
	s12 =	sor.u32 s11, s4  }
0x5: {  	[smem:$0x7FF] =	sst s3;
	s4 =	sshll.u32 s12, $0x5  }
0x6: {  	_ =	strace $0x80000047;
	s5 =	sadd.s32 s10, s4;
	s4 =	simm.s32 $0x2  }
0x7: {  	[tilespmem:s3], [sflag:$0x2] =	stream.linear.gather [hbm4b:s5+s3], $0x100, $0x38;
	[tilespmem:$0x2100] =	vst v63  }
0x8: {  	_ =	swait.ge [sflag:s4], $0x100  }
0x9: {  	[sflag:s4] =	ssyncset.done $0x0  }
0xa: {  	s6 =	simm.s32 $0x80;
	s7 =	simm.s32 $0x100;
	[sflag:s4] =	ssyncadd.s32 $0xFFFFFF00  }
0xb: {  	[tilespmem:s7], [sflag:$0x1] =	stream.indirect.gather [hbm4b:s2+s6], $0x20, s3, s6, $0xb8;
	[tilespmem:$0x2100] =	vst v63  }
0xc: {  	s8 =	simm.s32 $0x1100;
	s9 =	simm.s32 $0x1;
	s11 =	ssub.s32 $0x2, s11  }
0xd: {  	[tilespmem:s8], [sflag:$0x1] =	stream.indirect.gather [hbm4b:s2+s6], $0x20, s6, s6, $0xb8;
	[tilespmem:$0x2100] =	vst v63  }
0xe: {  	s13 =	sshrl.u32 s11, $0x1;
	_ =	swait.ge [sflag:s9], $0x1000  }
0xf: {  	s11 =	ssub.s32 s11, s13;
	[sflag:s9] =	ssyncset.done $0x0  }
0x10: {  	s11 =	smax.u32 s11, $0x1;
	[sflag:s9] =	ssyncadd.s32 $0xFFFFF000  }
0x11: {  	s12 =	sshll.u32 s12, $0xA;
	p0 =	sne.s32 s11, $0x1;
	_ =	swait.ge [sflag:s9], $0x1000  }
.Ltmp0:
0x12: {  	s10 =	sadd.s32 s12, s10;
	[sflag:s9] =	ssyncset.done $0x0;
	(pc) =	sbr.rel @!p0 .LBB2_2-.Ltmp0, $4  }
0x13: {  	s10 =	sadd.s32 $0x400, s10;
	[sflag:s9] =	ssyncadd.s32 $0xFFFFF000  }
0x14: {  	[hbm4b:s10+s3] =	stream.linear.scatter [tilespmem:s7], [sflag:$0x2], $0x2000, $0x38;
	[tilespmem:$0x2100] =	vst v63  }
0x15: {  	_ =	swait.ge [sflag:s4], $0x2000  }
0x16: {  	s11 =	sadd.s32 $0xFFFFFFFF, s11;
	[sflag:s4] =	ssyncset.done $0x0  }
.LBB2_1:
0x17: {  	p0 =	sne.s32 s11, $0x1;
	s11 =	sadd.s32 $0xFFFFFFFF, s11;
	[sflag:s4] =	ssyncadd.s32 $0xFFFFE000  }
0x18: {  	[tilespmem:s3], [sflag:$0x2] =	stream.linear.gather [hbm4b:s5+s3], $0x100, $0x38;
	[tilespmem:$0x2100] =	vst v63  }
0x19: {  	_ =	swait.ge [sflag:s4], $0x100  }
0x1a: {  	[sflag:s4] =	ssyncset.done $0x0  }
0x1b: {  	[sflag:s4] =	ssyncadd.s32 $0xFFFFFF00  }
0x1c: {  	[tilespmem:s7], [sflag:$0x1] =	stream.indirect.gather [hbm4b:s2+s6], $0x20, s3, s6, $0xb8;
	[tilespmem:$0x2100] =	vst v63  }
0x1d: {  	_ = 	snop  }
0x1e: {  	[tilespmem:s8], [sflag:$0x1] =	stream.indirect.gather [hbm4b:s2+s6], $0x20, s6, s6, $0xb8;
	[tilespmem:$0x2100] =	vst v63  }
0x1f: {  	_ =	swait.ge [sflag:s9], $0x1000  }
0x20: {  	[sflag:s9] =	ssyncset.done $0x0  }
0x21: {  	[sflag:s9] =	ssyncadd.s32 $0xFFFFF000  }
0x22: {  	_ =	swait.ge [sflag:s9], $0x1000  }
.Ltmp1:
0x23: {  	[sflag:s9] =	ssyncset.done $0x0;
	(pc) =	sbr.rel @p0 .LBB2_1-.Ltmp1, $4  }
0x24: {  	[sflag:s9] =	ssyncadd.s32 $0xFFFFF000  }
0x25: {  	[hbm4b:s10+s3] =	stream.linear.scatter [tilespmem:s7], [sflag:$0x2], $0x2000, $0x38;
	[tilespmem:$0x2100] =	vst v63  }
0x26: {  	_ =	swait.ge [sflag:s4], $0x2000  }
0x27: {  	[sflag:s4] =	ssyncset.done $0x0  }
.LBB2_2:
0x28: {  	[sflag:s4] =	ssyncadd.s32 $0xFFFFE000  }
0x29: {  	_ =	sfence.sel $0x180000  }
0x2a: {  	[bflag:$0x0] =	sbarrier.arrive $0xFFFF  }
0x2b: {  	p0 =	sne.s32 s0, $0x0;
	_ =	strace $0x90000047  }
0x2c: {  	s0 =	sadd.s32 @!p0 $0x100000, s1;
	[bflag:$0x2] =	sbarrier.arrive $0xFFFF  }
0x2d: {  	[sflag:s0] =	ssyncadd.tile.s32 @!p0 $0x1;
	_ =	shalt  }
.Lfunc_end2:
_tile_overlayer_lowered:
.L_overlay_start_2:
0x2e: {  	(tag) =	ssettag $0x2  }
0x2f: {  	s0 =	rddreg [dreg:$0x0];
	s2 =	stileid.u32  }
0x30: {  	s1 =	rddreg [dreg:$0x1];
	p0 =	sne.s32 s2, $0x0  }
0x31: {  	s3 =	rddreg [dreg:$0x2];
	[bflag:$0x3] =	sbarrier.arrive $0xFFFF;
	s2 =	simm.s32 @!p0 $0x1C02  }
0x32: {  	[timem:s3], [sflag:s2] =	dma.local @!p0 [hbm:s0], s1  }
0x33: {  	s0 =	simm.s32 @!p0 $0x2  }
0x34: {  	_ =	swait.ge @!p0 [sflag:s0], s1  }
0x35: {  	s1 =	ssub.s32 @!p0 $0x0, s1;
	[sflag:s0] =	ssyncset.done @!p0 $0x0  }
0x36: {  	[sflag:s0] =	ssyncadd.s32 @!p0 s1  }
0x37: {  	[bflag:$0x3] =	sbarrier.arrive $0xFFFF  }
0x38: {  	_ =	shalt  }

</sc_bundles>
